<compile_context>
chip_gen: v7x
topology: tpu7x:2x2x1
jax: 0.10.2.dev20260603
libtpu: 0.0.44.dev20260713+nightly
codegen_flags: <defaults>
</compile_context>

<pallas_src>
import functools

import jax
import jax.numpy as jnp
import numpy as np
from jax import lax
from jax.experimental import pallas as pl
from jax.experimental.pallas import tpu as pltpu
from jax.experimental.pallas import tpu_sc as plsc

_LEGAL_ISO = np.array(
    [50, 64, 80, 100, 125, 160, 200, 250, 320, 400, 500, 640, 800, 1000,
     1250, 1600, 2000, 2500, 3200, 4000, 5000, 6400, 8000, 10000, 12800,
     16000, 20000, 25600, 32000, 40000, 51200], dtype=np.float32)
_N_TBL = 31
_L = 16



def _compute_scale(params_row):
    tbl = params_row[0:1, 0:_N_TBL]
    cam_row = params_row[0:1, _N_TBL:2 * _N_TBL]
    gain = params_row[0, 2 * _N_TBL]
    iso_v = params_row[0, 2 * _N_TBL + 1]
    lt = (tbl < iso_v).astype(jnp.int32)
    le = (tbl <= iso_v).astype(jnp.int32)
    l_idx = jnp.minimum(jnp.sum(lt), _N_TBL - 1)
    r_idx = jnp.minimum(jnp.sum(le), _N_TBL - 1)
    iota = lax.broadcasted_iota(jnp.int32, (1, _N_TBL), 1)
    sel_l = (iota == l_idx)
    sel_r = (iota == r_idx)
    zf = jnp.zeros((1, _N_TBL), jnp.float32)
    iso_l = jnp.sum(jnp.where(sel_l, tbl, zf))
    iso_r = jnp.sum(jnp.where(sel_r, tbl, zf))
    cam_l = jnp.exp(jnp.sum(jnp.where(sel_l, cam_row, zf)))
    cam_r = jnp.exp(jnp.sum(jnp.where(sel_r, cam_row, zf)))
    denom = iso_r - iso_l
    safe_denom = jnp.where(denom != 0, denom, jnp.float32(1.0))
    cam = jnp.where(denom != 0,
                    ((iso_v - iso_l) * cam_r + (iso_r - iso_v) * cam_l) / safe_denom,
                    cam_l)
    return jnp.exp(cam * gain) * iso_v


def _rescale_kernel(params_ref, x_ref, z_ref, smem_ref):
    @pl.when(pl.program_id(1) == 0)
    def _init():
        smem_ref[0] = jnp.float32(1.0) / _compute_scale(params_ref[...])

    z_ref[...] = x_ref[...] * smem_ref[0]



def _log_f32(v):
    bits = plsc.bitcast(v, jnp.int32)
    e = ((bits >> 23) & 0xFF) - 127
    m = plsc.bitcast((bits & 0x7FFFFF) | 0x3F800000, jnp.float32)
    big = m > jnp.float32(1.4142135623730951)
    m = jnp.where(big, m * jnp.float32(0.5), m)
    e = jnp.where(big, e + 1, e)
    t = (m - 1.0) / (m + 1.0)
    t2 = t * t
    p = jnp.float32(1.0 / 9.0)
    p = p * t2 + jnp.float32(1.0 / 7.0)
    p = p * t2 + jnp.float32(1.0 / 5.0)
    p = p * t2 + jnp.float32(1.0 / 3.0)
    p = p * t2 + jnp.float32(1.0)
    ln2 = jnp.float32(0.6931471805599453)
    return e.astype(jnp.float32) * ln2 + jnp.float32(2.0) * t * p


def _logdet_sc_kernel(params_hbm, out_hbm, pvmem, ovmem, *, n_chw):
    cid = lax.axis_index("c")
    sid = lax.axis_index("s")

    @pl.when(jnp.logical_and(cid == 0, sid == 0))
    def _only_tile0():
        pltpu.sync_copy(params_hbm, pvmem)
        t0 = pvmem[pl.ds(0, _L)]
        t1 = pvmem[pl.ds(_L, _L)]
        gain = pvmem[pl.ds(4 * _L, _L)]
        iso_v = pvmem[pl.ds(5 * _L, _L)]
        l_cnt = (plsc.all_reduce_population_count(t0 < iso_v)
                 + plsc.all_reduce_population_count(t1 < iso_v))
        r_cnt = (plsc.all_reduce_population_count(t0 <= iso_v)
                 + plsc.all_reduce_population_count(t1 <= iso_v))
        l_idx = jnp.minimum(l_cnt, _N_TBL - 1)
        r_idx = jnp.minimum(r_cnt, _N_TBL - 1)
        iso_l = plsc.load_gather(pvmem, [l_idx])
        iso_r = plsc.load_gather(pvmem, [r_idx])
        cam_l = jnp.exp(plsc.load_gather(pvmem, [l_idx + 2 * _L]))
        cam_r = jnp.exp(plsc.load_gather(pvmem, [r_idx + 2 * _L]))
        denom = iso_r - iso_l
        nz = denom != jnp.float32(0.0)
        safe_denom = jnp.where(nz, denom, jnp.float32(1.0))
        cam = jnp.where(nz,
                        ((iso_v - iso_l) * cam_r + (iso_r - iso_v) * cam_l) / safe_denom,
                        cam_l)
        log_scale = cam * gain + _log_f32(iso_v)
        ovmem[...] = -jnp.float32(n_chw) * log_scale
        pltpu.sync_copy(ovmem, out_hbm)



def kernel(x, cam_param, gain_params, iso):
    B, C, H, W = x.shape
    n_chw = C * H * W
    total = B * n_chw
    ncols = W
    nrows = total // ncols
    block_rows = 4096
    grid = nrows // block_rows

    iso_f = jnp.asarray(iso, jnp.float32)
    gain_f = jnp.asarray(gain_params, jnp.float32)
    cam_f = cam_param.astype(jnp.float32)
    params_row = jnp.concatenate(
        [jnp.asarray(_LEGAL_ISO), cam_f, gain_f[None], iso_f[None]]
    ).reshape(1, 2 * _N_TBL + 2)

    inf_pad = jnp.full((1,), np.inf, jnp.float32)
    params_sc = jnp.concatenate([
        jnp.asarray(_LEGAL_ISO), inf_pad,
        cam_f, jnp.zeros((1,), jnp.float32),
        jnp.full((_L,), gain_f, jnp.float32),
        jnp.full((_L,), iso_f, jnp.float32),
    ])

    x2d = x.reshape(nrows, ncols)
    outer = 2
    inner = grid // outer
    z2d = pl.pallas_call(
        _rescale_kernel,
        grid=(outer, inner),
        in_specs=[
            pl.BlockSpec((1, 2 * _N_TBL + 2), lambda o, i: (0, 0)),
            pl.BlockSpec((block_rows, ncols), lambda o, i: (o * inner + i, 0)),
        ],
        out_specs=pl.BlockSpec((block_rows, ncols), lambda o, i: (o * inner + i, 0)),
        out_shape=jax.ShapeDtypeStruct((nrows, ncols), jnp.float32),
        scratch_shapes=[pltpu.SMEM((1,), jnp.float32)],
        compiler_params=pltpu.CompilerParams(
            dimension_semantics=("parallel", "arbitrary")),
    )(params_row, x2d)

    mesh = plsc.VectorSubcoreMesh(core_axis_name="c", subcore_axis_name="s",
                                  num_cores=1, num_subcores=1)
    sc_body = functools.partial(_logdet_sc_kernel, n_chw=n_chw)
    logdet = pl.kernel(
        sc_body,
        mesh=mesh,
        out_type=jax.ShapeDtypeStruct((B,), jnp.float32),
        scratch_types=[
            pltpu.VMEM((6 * _L,), jnp.float32),
            pltpu.VMEM((B,), jnp.float32),
        ],
        compiler_params=pltpu.CompilerParams(needs_layout_passes=False),
    )(params_sc)

    return z2d.reshape(B, C, H, W), logdet

# --- scband reference (transcript-rebuilt; emitter-appended) ---
"""Pipeline reference for scband-gain-iso-62912680952439 (READ-ONLY COPY).

The authoritative reference and input builder live on the scoring server;
editing this copy changes nothing except your own understanding.
"""

import jax, jax.numpy as jnp
import numpy as np

LEGAL_ISO = jnp.array([50, 64, 80, 100, 125, 160, 200, 250, 320, 400, 500, 640, 800, 1000, 1250, 1600, 2000, 2500, 3200, 4000, 5000, 6400, 8000, 10000, 12800, 16000, 20000, 25600, 32000, 40000, 51200], dtype=jnp.float32)


def setup_inputs(seed: int = 0) -> dict:
    key = jax.random.key(seed)
    kx = jax.random.fold_in(key, 0)
    x = jax.random.uniform(kx, (16, 4, 512, 512), dtype=jnp.float32)
    cam_param = jnp.zeros((31,), dtype=jnp.float32)
    gain_params = jnp.float32(-5.0)
    return {"x": x, "cam_param": cam_param, "gain_params": gain_params, "iso": 800}


def _scale(iso, cam_param, gain_params):
    iso = jnp.float32(iso)
    l = jnp.searchsorted(LEGAL_ISO, iso, side='left')
    r = jnp.searchsorted(LEGAL_ISO, iso, side='right')
    iso_l = LEGAL_ISO[l]
    iso_r = LEGAL_ISO[r]
    cam_param_l = jnp.exp(cam_param[l])
    cam_param_r = jnp.exp(cam_param[r])
    denom = iso_r - iso_l
    safe_denom = jnp.where(denom != 0, denom, jnp.float32(1.0))
    cam = jnp.where(denom != 0,
                    ((iso - iso_l) * cam_param_r + (iso_r - iso) * cam_param_l) / safe_denom,
                    cam_param_l)
    return jnp.exp(cam * gain_params) * iso


def reference(x, cam_param, gain_params, iso):
    # faithful translation of GainISO._forward_and_log_det_jacobian
    scale = _scale(iso, cam_param, gain_params) + x * 0.0
    z = x / scale
    log_abs_det_J_inv = -jnp.sum(jnp.log(scale), axis=(1, 2, 3))
    return z, log_abs_det_J_inv

if __name__ == "__main__":
    import jax
    _d = setup_inputs()
    print(jax.jit(kernel)(*tuple(_d.values())))

</pallas_src>

<mosaic_0001>
#map = affine_map<(d0, d1) -> (0)>
module attributes {stable_mosaic.version = 14 : i64} {
  func.func @_logdet_sc_kernel(%arg0: i32, %arg1: i32, %arg2: memref<96xf32, #tpu.memory_space<hbm>>, %arg3: memref<16xf32, #tpu.memory_space<hbm>>, %arg4: memref<96xf32, #tpu.memory_space<vmem>>, %arg5: memref<16xf32, #tpu.memory_space<vmem>>) attributes {dimension_semantics = [#tpu.dimension_semantics<core_parallel>, #tpu.dimension_semantics<subcore_parallel>], iteration_bounds = array<i64: 1, 1>, scalar_prefetch = 0 : i64, scratch_operands = 2 : i64, tpu.core_type = #tpu.core_type<sc_vector_subcore>, window_params = [{transform_indices = #map}, {transform_indices = #map}]} {
    %eq3A = arith.constant 0 : i32
    %eq3A_0 = arith.cmpi eq, %arg0, %eq3A : i32
    %eq3A_1 = arith.constant 0 : i32
    %eq3A_2 = arith.cmpi eq, %arg1, %eq3A_1 : i32
    %and3A = arith.andi %eq3A_0, %eq3A_2 : i1
    %convert_element_type3A = arith.extui %and3A : i1 to i32
    %cond3A = arith.constant 0 : i32
    %cond3A_3 = arith.cmpi ne, %convert_element_type3A, %cond3A : i32
    scf.if %cond3A_3 {
      "tpu.region"() ({
        %run_scoped3A = tpu.sem_alloc : memref<!tpu.dma_semaphore, #tpu.memory_space<semaphore_mem>>
        tpu.enqueue_dma source(%arg2 : memref<96xf32, #tpu.memory_space<hbm>>) target(%arg4 : memref<96xf32, #tpu.memory_space<vmem>>) target_semaphore(%run_scoped3A : memref<!tpu.dma_semaphore, #tpu.memory_space<semaphore_mem>>)
        tpu.wait_dma2 semaphore(%run_scoped3A : memref<!tpu.dma_semaphore, #tpu.memory_space<semaphore_mem>>) src(%arg2 : memref<96xf32, #tpu.memory_space<hbm>>) dst(%arg4 : memref<96xf32, #tpu.memory_space<vmem>>)
        tpu.yield
      }) : () -> ()
      %get3A = arith.constant 0 : index
      %get3A_4 = tpu.vector_load %arg4[%get3A] {strides = array<i32>} : memref<96xf32, #tpu.memory_space<vmem>>, vector<16xf32>,
      %get3A_5 = arith.constant 16 : index
      %get3A_6 = tpu.vector_load %arg4[%get3A_5] {strides = array<i32>} : memref<96xf32, #tpu.memory_space<vmem>>, vector<16xf32>,
      %get3A_7 = arith.constant 64 : index
      %get3A_8 = tpu.vector_load %arg4[%get3A_7] {strides = array<i32>} : memref<96xf32, #tpu.memory_space<vmem>>, vector<16xf32>,
      %get3A_9 = arith.constant 80 : index
      %get3A_10 = tpu.vector_load %arg4[%get3A_9] {strides = array<i32>} : memref<96xf32, #tpu.memory_space<vmem>>, vector<16xf32>,
      %lt3A = arith.cmpf olt, %get3A_4, %get3A_10 : vector<16xf32>
      %all_reduce_population_count3A = tpu.all_reduce %lt3A {dim = 0 : i64, kind = #tpu.reduction_kind<sum>} : vector<16xi1> -> vector<16xi32>
      %lt3A_11 = arith.cmpf olt, %get3A_6, %get3A_10 : vector<16xf32>
      %all_reduce_population_count3A_12 = tpu.all_reduce %lt3A_11 {dim = 0 : i64, kind = #tpu.reduction_kind<sum>} : vector<16xi1> -> vector<16xi32>
      %add3A = arith.addi %all_reduce_population_count3A, %all_reduce_population_count3A_12 : vector<16xi32>
      %le3A = arith.cmpf ole, %get3A_4, %get3A_10 : vector<16xf32>
      %all_reduce_population_count3A_13 = tpu.all_reduce %le3A {dim = 0 : i64, kind = #tpu.reduction_kind<sum>} : vector<16xi1> -> vector<16xi32>
      %le3A_14 = arith.cmpf ole, %get3A_6, %get3A_10 : vector<16xf32>
      %all_reduce_population_count3A_15 = tpu.all_reduce %le3A_14 {dim = 0 : i64, kind = #tpu.reduction_kind<sum>} : vector<16xi1> -> vector<16xi32>
      %add3A_16 = arith.addi %all_reduce_population_count3A_13, %all_reduce_population_count3A_15 : vector<16xi32>
      %min3A = arith.constant 30 : i32
      %min3A_17 = vector.broadcast %min3A : i32 to vector<16xi32>
      %min3A_18 = arith.minsi %add3A, %min3A_17 : vector<16xi32>
      %min3A_19 = arith.constant 30 : i32
      %min3A_20 = vector.broadcast %min3A_19 : i32 to vector<16xi32>
      %min3A_21 = arith.minsi %add3A_16, %min3A_20 : vector<16xi32>
      %gather3A = tpu.vector_load_idx %arg4[%min3A_18] : memref<96xf32, #tpu.memory_space<vmem>>[vector<16xi32>], vector<16xf32>,
      %gather3A_22 = tpu.vector_load_idx %arg4[%min3A_21] : memref<96xf32, #tpu.memory_space<vmem>>[vector<16xi32>], vector<16xf32>,
      %add3A_23 = arith.constant 32 : i32
      %add3A_24 = vector.broadcast %add3A_23 : i32 to vector<16xi32>
      %add3A_25 = arith.addi %min3A_18, %add3A_24 : vector<16xi32>
      %gather3A_26 = tpu.vector_load_idx %arg4[%add3A_25] : memref<96xf32, #tpu.memory_space<vmem>>[vector<16xi32>], vector<16xf32>,
      %exp3A = math.exp %gather3A_26 : vector<16xf32>
      %add3A_27 = arith.constant 32 : i32
      %add3A_28 = vector.broadcast %add3A_27 : i32 to vector<16xi32>
      %add3A_29 = arith.addi %min3A_21, %add3A_28 : vector<16xi32>
      %gather3A_30 = tpu.vector_load_idx %arg4[%add3A_29] : memref<96xf32, #tpu.memory_space<vmem>>[vector<16xi32>], vector<16xf32>,
      %exp3A_31 = math.exp %gather3A_30 : vector<16xf32>
      %sub3A = arith.subf %gather3A_22, %gather3A : vector<16xf32>
      %ne3A = arith.constant 0.000000e+00 : f32
      %ne3A_32 = vector.broadcast %ne3A : f32 to vector<16xf32>
      %ne3A_33 = arith.cmpf one, %sub3A, %ne3A_32 : vector<16xf32>
      %jit3A = arith.constant 1.000000e+00 : f32
      %broadcast_in_dim3A = vector.broadcast %jit3A : f32 to vector<16xf32>
      %select_n3A = arith.select %ne3A_33, %sub3A, %broadcast_in_dim3A : vector<16xi1>, vector<16xf32>
      %sub3A_34 = arith.subf %get3A_10, %gather3A : vector<16xf32>
      %mul3A = arith.mulf %sub3A_34, %exp3A_31 : vector<16xf32>
      %sub3A_35 = arith.subf %gather3A_22, %get3A_10 : vector<16xf32>
      %mul3A_36 = arith.mulf %sub3A_35, %exp3A : vector<16xf32>
      %add3A_37 = arith.addf %mul3A, %mul3A_36 : vector<16xf32>
      %div3A = arith.divf %add3A_37, %select_n3A : vector<16xf32>
      %select_n3A_38 = arith.select %ne3A_33, %div3A, %exp3A : vector<16xi1>, vector<16xf32>
      %mul3A_39 = arith.mulf %select_n3A_38, %get3A_8 : vector<16xf32>
      %bitcast3A = vector.bitcast %get3A_10 : vector<16xf32> to vector<16xi32>
      %shift_right_arithmetic3A = arith.constant 23 : i32
      %shift_right_arithmetic3A_40 = vector.broadcast %shift_right_arithmetic3A : i32 to vector<16xi32>
      %shift_right_arithmetic3A_41 = arith.shrsi %bitcast3A, %shift_right_arithmetic3A_40 : vector<16xi32>
      %and3A_42 = arith.constant 255 : i32
      %and3A_43 = vector.broadcast %and3A_42 : i32 to vector<16xi32>
      %and3A_44 = arith.andi %shift_right_arithmetic3A_41, %and3A_43 : vector<16xi32>
      %sub3A_45 = arith.constant 127 : i32
      %sub3A_46 = vector.broadcast %sub3A_45 : i32 to vector<16xi32>
      %sub3A_47 = arith.subi %and3A_44, %sub3A_46 : vector<16xi32>
      %and3A_48 = arith.constant 8388607 : i32
      %and3A_49 = vector.broadcast %and3A_48 : i32 to vector<16xi32>
      %and3A_50 = arith.andi %bitcast3A, %and3A_49 : vector<16xi32>
      %or3A = arith.constant 1065353216 : i32
      %or3A_51 = vector.broadcast %or3A : i32 to vector<16xi32>
      %or3A_52 = arith.ori %and3A_50, %or3A_51 : vector<16xi32>
      %bitcast3A_53 = vector.bitcast %or3A_52 : vector<16xi32> to vector<16xf32>
      %gt3A = arith.constant 1.41421354 : f32
      %gt3A_54 = vector.broadcast %gt3A : f32 to vector<16xf32>
      %gt3A_55 = arith.cmpf ogt, %bitcast3A_53, %gt3A_54 : vector<16xf32>
      %mul3A_56 = arith.constant 5.000000e-01 : f32
      %mul3A_57 = vector.broadcast %mul3A_56 : f32 to vector<16xf32>
      %mul3A_58 = arith.mulf %bitcast3A_53, %mul3A_57 : vector<16xf32>
      %select_n3A_59 = arith.select %gt3A_55, %mul3A_58, %bitcast3A_53 : vector<16xi1>, vector<16xf32>
      %add3A_60 = arith.constant 1 : i32
      %add3A_61 = vector.broadcast %add3A_60 : i32 to vector<16xi32>
      %add3A_62 = arith.addi %sub3A_47, %add3A_61 : vector<16xi32>
      %select_n3A_63 = arith.select %gt3A_55, %add3A_62, %sub3A_47 : vector<16xi1>, vector<16xi32>
      %sub3A_64 = arith.constant 1.000000e+00 : f32
      %sub3A_65 = vector.broadcast %sub3A_64 : f32 to vector<16xf32>
      %sub3A_66 = arith.subf %select_n3A_59, %sub3A_65 : vector<16xf32>
      %add3A_67 = arith.constant 1.000000e+00 : f32
      %add3A_68 = vector.broadcast %add3A_67 : f32 to vector<16xf32>
      %add3A_69 = arith.addf %select_n3A_59, %add3A_68 : vector<16xf32>
      %div3A_70 = arith.divf %sub3A_66, %add3A_69 : vector<16xf32>
      %mul3A_71 = arith.mulf %div3A_70, %div3A_70 : vector<16xf32>
      %mul3A_72 = arith.constant 0.111111112 : f32
      %mul3A_73 = vector.broadcast %mul3A_72 : f32 to vector<16xf32>
      %mul3A_74 = arith.mulf %mul3A_73, %mul3A_71 : vector<16xf32>
      %add3A_75 = arith.constant 0.142857149 : f32
      %add3A_76 = vector.broadcast %add3A_75 : f32 to vector<16xf32>
      %add3A_77 = arith.addf %mul3A_74, %add3A_76 : vector<16xf32>
      %mul3A_78 = arith.mulf %add3A_77, %mul3A_71 : vector<16xf32>
      %add3A_79 = arith.constant 2.000000e-01 : f32
      %add3A_80 = vector.broadcast %add3A_79 : f32 to vector<16xf32>
      %add3A_81 = arith.addf %mul3A_78, %add3A_80 : vector<16xf32>
      %mul3A_82 = arith.mulf %add3A_81, %mul3A_71 : vector<16xf32>
      %add3A_83 = arith.constant 0.333333343 : f32
      %add3A_84 = vector.broadcast %add3A_83 : f32 to vector<16xf32>
      %add3A_85 = arith.addf %mul3A_82, %add3A_84 : vector<16xf32>
      %mul3A_86 = arith.mulf %add3A_85, %mul3A_71 : vector<16xf32>
      %add3A_87 = arith.constant 1.000000e+00 : f32
      %add3A_88 = vector.broadcast %add3A_87 : f32 to vector<16xf32>
      %add3A_89 = arith.addf %mul3A_86, %add3A_88 : vector<16xf32>
      %convert_element_type3A_90 = arith.sitofp %select_n3A_63 : vector<16xi32> to vector<16xf32>
      %mul3A_91 = arith.constant 0.693147182 : f32
      %mul3A_92 = vector.broadcast %mul3A_91 : f32 to vector<16xf32>
      %mul3A_93 = arith.mulf %convert_element_type3A_90, %mul3A_92 : vector<16xf32>
      %mul3A_94 = arith.constant 2.000000e+00 : f32
      %mul3A_95 = vector.broadcast %mul3A_94 : f32 to vector<16xf32>
      %mul3A_96 = arith.mulf %mul3A_95, %div3A_70 : vector<16xf32>
      %mul3A_97 = arith.mulf %mul3A_96, %add3A_89 : vector<16xf32>
      %add3A_98 = arith.addf %mul3A_93, %mul3A_97 : vector<16xf32>
      %add3A_99 = arith.addf %mul3A_39, %add3A_98 : vector<16xf32>
      %neg3A = arith.constant 0.000000e+00 : f32
      %neg3A_100 = arith.constant 0x49800000 : f32
      %neg3A_101 = arith.subf %neg3A, %neg3A_100 : f32
      %mul3A_102 = vector.broadcast %neg3A_101 : f32 to vector<16xf32>
      %mul3A_103 = arith.mulf %mul3A_102, %add3A_99 : vector<16xf32>
      %swap3A = arith.constant 0 : index
      %swap3A_104 = tpu.vector_load %arg5[%swap3A] {strides = array<i32>} : memref<16xf32, #tpu.memory_space<vmem>>, vector<16xf32>,
      tpu.vector_store %arg5[%swap3A], %mul3A_103 {strides = array<i32>} : memref<16xf32, #tpu.memory_space<vmem>>, vector<16xf32>,
      "tpu.region"() ({
        %run_scoped3A = tpu.sem_alloc : memref<!tpu.dma_semaphore, #tpu.memory_space<semaphore_mem>>
        tpu.enqueue_dma source(%arg5 : memref<16xf32, #tpu.memory_space<vmem>>) target(%arg3 : memref<16xf32, #tpu.memory_space<hbm>>) target_semaphore(%run_scoped3A : memref<!tpu.dma_semaphore, #tpu.memory_space<semaphore_mem>>)
        tpu.wait_dma2 semaphore(%run_scoped3A : memref<!tpu.dma_semaphore, #tpu.memory_space<semaphore_mem>>) src(%arg5 : memref<16xf32, #tpu.memory_space<vmem>>) dst(%arg3 : memref<16xf32, #tpu.memory_space<hbm>>)
        tpu.yield
      }) : () -> ()
    } else {
    }
    return
  }
}

module attributes {stable_mosaic.version = 14 : i64} {
  func.func @_rescale_kernel(%arg0: i32, %arg1: i32, %arg2: memref<1x64xf32, #tpu.memory_space<vmem>>, %arg3: memref<4096x512xf32, #tpu.memory_space<vmem>>, %arg4: memref<4096x512xf32, #tpu.memory_space<vmem>>, %arg5: memref<1xf32, #tpu.memory_space<smem>>) attributes {dimension_semantics = [#tpu.dimension_semantics<parallel>, #tpu.dimension_semantics<arbitrary>], iteration_bounds = array<i64: 2, 4>, scalar_prefetch = 0 : i64, scratch_operands = 1 : i64, tpu.core_type = #tpu.core_type<tc>, window_params = [{pipeline_mode = #tpu.pipeline_mode<synchronous>, transform_indices = @transform_0, window_bounds = array<i64: 1, 64>}, {transform_indices = @transform_1, window_bounds = array<i64: 4096, 512>}, {transform_indices = @transform_2, window_bounds = array<i64: 4096, 512>}]} {
    %eq3A = arith.constant 0 : i32
    %eq3A_0 = arith.cmpi eq, %arg1, %eq3A : i32
    %convert_element_type3A = arith.extui %eq3A_0 : i1 to i32
    %cond3A = arith.constant 0 : i32
    %cond3A_1 = arith.cmpi ne, %convert_element_type3A, %cond3A : i32
    scf.if %cond3A_1 {
      %get3A_9 = arith.constant 0 : index
      %get3A_10 = arith.constant 0 : index
      %get3A_11 = vector.load %arg2[%get3A_9, %get3A_10] : memref<1x64xf32, #tpu.memory_space<vmem>>, vector<1x64xf32>
      %slice3A = vector.extract_strided_slice %get3A_11 {offsets = [0, 0], sizes = [1, 31], strides = [1, 1]} : vector<1x64xf32> to vector<1x31xf32>
      %slice3A_12 = vector.extract_strided_slice %get3A_11 {offsets = [0, 31], sizes = [1, 31], strides = [1, 1]} : vector<1x64xf32> to vector<1x31xf32>
      %slice3A_13 = vector.extract_strided_slice %get3A_11 {offsets = [0, 62], sizes = [1, 1], strides = [1, 1]} : vector<1x64xf32> to vector<1x1xf32>
      %squeeze3A = vector.extract %slice3A_13[0, 0] : f32 from vector<1x1xf32>
      %slice3A_14 = vector.extract_strided_slice %get3A_11 {offsets = [0, 63], sizes = [1, 1], strides = [1, 1]} : vector<1x64xf32> to vector<1x1xf32>
      %squeeze3A_15 = vector.extract %slice3A_14[0, 0] : f32 from vector<1x1xf32>
      %lt3A = vector.broadcast %squeeze3A_15 : f32 to vector<1x31xf32>
      %lt3A_16 = arith.cmpf olt, %slice3A, %lt3A : vector<1x31xf32>
      %convert_element_type3A_17 = arith.extui %lt3A_16 : vector<1x31xi1> to vector<1x31xi32>
      %le3A = vector.broadcast %squeeze3A_15 : f32 to vector<1x31xf32>
      %le3A_18 = arith.cmpf ole, %slice3A, %le3A : vector<1x31xf32>
      %convert_element_type3A_19 = arith.extui %le3A_18 : vector<1x31xi1> to vector<1x31xi32>
      %reduce_sum3A = vector.shape_cast %convert_element_type3A_17 : vector<1x31xi32> to vector<1x1x31xi32>
      %reduce_sum3A_20 = arith.constant dense<0> : vector<1xi32>
      %reduce_sum3A_21 = vector.multi_reduction <add>, %reduce_sum3A, %reduce_sum3A_20 [1, 2] : vector<1x1x31xi32> to vector<1xi32>
      %reduce_sum3A_22 = vector.shape_cast %reduce_sum3A_21 : vector<1xi32> to vector<1x1x1xi32>
      %reduce_sum3A_23 = vector.extract %reduce_sum3A_22[0, 0, 0] : i32 from vector<1x1x1xi32>
      %min3A = arith.constant 30 : i32
      %min3A_24 = arith.minsi %reduce_sum3A_23, %min3A : i32
      %reduce_sum3A_25 = vector.shape_cast %convert_element_type3A_19 : vector<1x31xi32> to vector<1x1x31xi32>
      %reduce_sum3A_26 = arith.constant dense<0> : vector<1xi32>
      %reduce_sum3A_27 = vector.multi_reduction <add>, %reduce_sum3A_25, %reduce_sum3A_26 [1, 2] : vector<1x1x31xi32> to vector<1xi32>
      %reduce_sum3A_28 = vector.shape_cast %reduce_sum3A_27 : vector<1xi32> to vector<1x1x1xi32>
      %reduce_sum3A_29 = vector.extract %reduce_sum3A_28[0, 0, 0] : i32 from vector<1x1x1xi32>
      %min3A_30 = arith.constant 30 : i32
      %min3A_31 = arith.minsi %reduce_sum3A_29, %min3A_30 : i32
      %iota3A = tpu.iota {dimensions = array<i32: 1>} : vector<1x31xi32>
      %eq3A_32 = vector.broadcast %min3A_24 : i32 to vector<1x31xi32>
      %eq3A_33 = arith.cmpi eq, %iota3A, %eq3A_32 : vector<1x31xi32>
      %eq3A_34 = vector.broadcast %min3A_31 : i32 to vector<1x31xi32>
      %eq3A_35 = arith.cmpi eq, %iota3A, %eq3A_34 : vector<1x31xi32>
      %broadcast_in_dim3A = arith.constant 0.000000e+00 : f32
      %broadcast_in_dim3A_36 = vector.broadcast %broadcast_in_dim3A : f32 to vector<1x31xf32>
      %select_n3A = arith.select %eq3A_33, %slice3A, %broadcast_in_dim3A_36 : vector<1x31xi1>, vector<1x31xf32>
      %reduce_sum3A_37 = vector.shape_cast %select_n3A : vector<1x31xf32> to vector<1x1x31xf32>
      %reduce_sum3A_38 = arith.constant dense<0.000000e+00> : vector<1xf32>
      %reduce_sum3A_39 = vector.multi_reduction <add>, %reduce_sum3A_37, %reduce_sum3A_38 [1, 2] : vector<1x1x31xf32> to vector<1xf32>
      %reduce_sum3A_40 = vector.shape_cast %reduce_sum3A_39 : vector<1xf32> to vector<1x1x1xf32>
      %reduce_sum3A_41 = vector.extract %reduce_sum3A_40[0, 0, 0] : f32 from vector<1x1x1xf32>
      %select_n3A_42 = arith.select %eq3A_35, %slice3A, %broadcast_in_dim3A_36 : vector<1x31xi1>, vector<1x31xf32>
      %reduce_sum3A_43 = vector.shape_cast %select_n3A_42 : vector<1x31xf32> to vector<1x1x31xf32>
      %reduce_sum3A_44 = arith.constant dense<0.000000e+00> : vector<1xf32>
      %reduce_sum3A_45 = vector.multi_reduction <add>, %reduce_sum3A_43, %reduce_sum3A_44 [1, 2] : vector<1x1x31xf32> to vector<1xf32>
      %reduce_sum3A_46 = vector.shape_cast %reduce_sum3A_45 : vector<1xf32> to vector<1x1x1xf32>
      %reduce_sum3A_47 = vector.extract %reduce_sum3A_46[0, 0, 0] : f32 from vector<1x1x1xf32>
      %select_n3A_48 = arith.select %eq3A_33, %slice3A_12, %broadcast_in_dim3A_36 : vector<1x31xi1>, vector<1x31xf32>
      %reduce_sum3A_49 = vector.shape_cast %select_n3A_48 : vector<1x31xf32> to vector<1x1x31xf32>
      %reduce_sum3A_50 = arith.constant dense<0.000000e+00> : vector<1xf32>
      %reduce_sum3A_51 = vector.multi_reduction <add>, %reduce_sum3A_49, %reduce_sum3A_50 [1, 2] : vector<1x1x31xf32> to vector<1xf32>
      %reduce_sum3A_52 = vector.shape_cast %reduce_sum3A_51 : vector<1xf32> to vector<1x1x1xf32>
      %reduce_sum3A_53 = vector.extract %reduce_sum3A_52[0, 0, 0] : f32 from vector<1x1x1xf32>
      %exp3A = math.exp %reduce_sum3A_53 : f32
      %select_n3A_54 = arith.select %eq3A_35, %slice3A_12, %broadcast_in_dim3A_36 : vector<1x31xi1>, vector<1x31xf32>
      %reduce_sum3A_55 = vector.shape_cast %select_n3A_54 : vector<1x31xf32> to vector<1x1x31xf32>
      %reduce_sum3A_56 = arith.constant dense<0.000000e+00> : vector<1xf32>
      %reduce_sum3A_57 = vector.multi_reduction <add>, %reduce_sum3A_55, %reduce_sum3A_56 [1, 2] : vector<1x1x31xf32> to vector<1xf32>
      %reduce_sum3A_58 = vector.shape_cast %reduce_sum3A_57 : vector<1xf32> to vector<1x1x1xf32>
      %reduce_sum3A_59 = vector.extract %reduce_sum3A_58[0, 0, 0] : f32 from vector<1x1x1xf32>
      %exp3A_60 = math.exp %reduce_sum3A_59 : f32
      %sub3A = arith.subf %reduce_sum3A_47, %reduce_sum3A_41 : f32
      %ne3A = arith.constant 0.000000e+00 : f32
      %ne3A_61 = arith.cmpf one, %sub3A, %ne3A : f32
      %jit3A = arith.constant 1.000000e+00 : f32
      %select_n3A_62 = arith.select %ne3A_61, %sub3A, %jit3A : f32
      %ne3A_63 = arith.constant 0.000000e+00 : f32
      %ne3A_64 = arith.cmpf one, %sub3A, %ne3A_63 : f32
      %sub3A_65 = arith.subf %squeeze3A_15, %reduce_sum3A_41 : f32
      %mul3A_66 = arith.mulf %sub3A_65, %exp3A_60 : f32
      %sub3A_67 = arith.subf %reduce_sum3A_47, %squeeze3A_15 : f32
      %mul3A_68 = arith.mulf %sub3A_67, %exp3A : f32
      %add3A = arith.addf %mul3A_66, %mul3A_68 : f32
      %div3A = arith.divf %add3A, %select_n3A_62 : f32
      %select_n3A_69 = arith.select %ne3A_64, %div3A, %exp3A : f32
      %mul3A_70 = arith.mulf %select_n3A_69, %squeeze3A : f32
      %exp3A_71 = math.exp %mul3A_70 : f32
      %mul3A_72 = arith.mulf %exp3A_71, %squeeze3A_15 : f32
      %div3A_73 = arith.constant 1.000000e+00 : f32
      %div3A_74 = arith.divf %div3A_73, %mul3A_72 : f32
      %swap3A_75 = arith.constant 0 : index
      %swap3A_76 = memref.load %arg5[%swap3A_75] : memref<1xf32, #tpu.memory_space<smem>>
      memref.store %div3A_74, %arg5[%swap3A_75] : memref<1xf32, #tpu.memory_space<smem>>
    } else {
    }
    %get3A = arith.constant 0 : index
    %get3A_2 = arith.constant 0 : index
    %get3A_3 = vector.load %arg3[%get3A, %get3A_2] : memref<4096x512xf32, #tpu.memory_space<vmem>>, vector<4096x512xf32>
    %get3A_4 = arith.constant 0 : index
    %get3A_5 = memref.load %arg5[%get3A_4] : memref<1xf32, #tpu.memory_space<smem>>
    %mul3A = vector.broadcast %get3A_5 : f32 to vector<4096x512xf32>
    %mul3A_6 = arith.mulf %get3A_3, %mul3A : vector<4096x512xf32>
    %swap3A = arith.constant 0 : index
    %swap3A_7 = arith.constant 0 : index
    %swap3A_8 = vector.load %arg4[%swap3A, %swap3A_7] : memref<4096x512xf32, #tpu.memory_space<vmem>>, vector<4096x512xf32>
    tpu.vector_store %arg4[%swap3A, %swap3A_7], %mul3A_6 {strides = array<i32>} : memref<4096x512xf32, #tpu.memory_space<vmem>>, vector<4096x512xf32>,
    return
  }
  func.func @transform_0(%arg0: i32, %arg1: i32) -> (i32, i32) {
    %c0_i32 = arith.constant 0 : i32
    %c0_i32_0 = arith.constant 0 : i32
    %c0_i32_1 = arith.constant 0 : i32
    return %c0_i32, %c0_i32_0 : i32, i32
  }
  func.func @transform_1(%arg0: i32, %arg1: i32) -> (i32, i32) {
    %mul3A = arith.constant 4 : i32
    %mul3A_0 = arith.muli %arg0, %mul3A : i32
    %add3A = arith.addi %mul3A_0, %arg1 : i32
    %c0_i32 = arith.constant 0 : i32
    %c0_i32_1 = arith.constant 0 : i32
    return %add3A, %c0_i32 : i32, i32
  }
  func.func @transform_2(%arg0: i32, %arg1: i32) -> (i32, i32) {
    %mul3A = arith.constant 4 : i32
    %mul3A_0 = arith.muli %arg0, %mul3A : i32
    %add3A = arith.addi %mul3A_0, %arg1 : i32
    %c0_i32 = arith.constant 0 : i32
    %c0_i32_1 = arith.constant 0 : i32
    return %add3A, %c0_i32 : i32, i32
  }
}

</mosaic_0001>

<sc_bundles>
// kernel: kernel.4.cloned.1.call-start
scs
__scs_entry_jumppad:
0x0: {  	(pc) =	sbr.rel $0x88, $3  }
0x1: {  	(tag) =	ssettag $0x0;
	lr =	simm.s32 $0x1  }
0x2: {  	[smem:$0x3F9D] =	sst lr;
	_ =	strace $0xD0000000  }
0x3: {  	_ = 	snop  }
0x4: {  	_ = 	snop  }
0x5: {  	_ = 	snop  }
0x6: {  	_ = 	snop  }
0x7: {  	_ = 	snop  }
__scs_overlays_trampoline_lowered:
0x8: {  	[smem:$0x3FAC] =	sst s0  }
0x9: {  	[smem:$0x3FAD] =	sst s1  }
0xa: {  	[smem:$0x3FAE] =	sst s2  }
0xb: {  	[smem:$0x3FAF] =	sst s3  }
0xc: {  	[smem:$0x3FB0] =	sst s4  }
0xd: {  	[smem:$0x3FB1] =	sst s5  }
0xe: {  	[smem:$0x3FB2] =	sst s6  }
0xf: {  	[smem:$0x3FB3] =	sst s7  }
0x10: {  	[smem:$0x3FB4] =	sst s8  }
0x11: {  	[smem:$0x3FB5] =	sst s9;
	s0 =	simm.s32 @!p0 $0x0  }
0x12: {  	s1 =	sld [smem:$0x3F9B];
	s0 =	simm.s32 @p0 $0x1  }
0x13: {  	[smem:$0x3FB6] =	sst s0;
	s0 =	simm.s32 @!p1 $0x0  }
0x14: {  	s2 =	sld [smem:$0x3F9A];
	s0 =	simm.s32 @p1 $0x1  }
0x15: {  	[smem:$0x3FB7] =	sst s0;
	s0 =	simm.s32 @!p2 $0x0  }
0x16: {  	s3 =	sld [smem:$0x3FDB];
	s0 =	simm.s32 @p2 $0x1  }
0x17: {  	s4 =	simm.s32 $0x1BF5;
	[smem:$0x3FB9] =	sst s0  }
0x18: {  	s0 =	sld [smem:$0x3F9C];
	_ =	swait.ge [sflag:s4], $0x0  }
0x19: {  	s7 =	sld [smem:$0x3F9D]  }
0x1a: {  	s8 =	sadd.s32 $0xFFFFE003, lr  }
0x1b: {  	s9 =	sadd.s32 $0xFFFFFEF7, lr;
	s5 =	simm.s32 $0xFFFFFFFF;
	p2 =	slt.u32 s8, $0xFFFFF086  }
0x1c: {  	p1 =	slt.u32 s9, $0xF7A;
	s5 =	simm.s32 @!p2 $0x0  }
0x1d: {  	s5 =	simm.s32 @p1 $0x1;
	p0 =	seq.s32 s7, s2  }
0x1e: {  	s7 =	smul.u32 @!p0 $0xF7A, s2;
	p2 =	seq.s32 @!p0 s5, $0x0  }
0x1f: {  	s9 =	smul.u32 $0xF7A, s1;
	s8 =	simm.s32 @!p0 $0x1BF5;
	p2 =	por !p2, p0  }
0x20: {  	[sflag:s8] =	ssyncset.s32 @!p0 $0xFFFFF086;
	s6 =	sadd.s32 @!p0 s3, s7;
	s7 =	simm.s32 @!p0 $0x108  }
0x21: {  	s3 =	sadd.s32 s3, s9;
	s6 =	sadd.s32 @!p0 $0x88, s6;
	s7 =	simm.s32 @p2 $0x1082  }
0x22: {  	[simem:s7], [sflag:s8] =	dma.local @!p0 [hbm:s6], $0xF7A  }
0x23: {  	s9 =	sor.u32 $0xD0000000, s2;
	s6 =	simm.s32 $0x108;
	_ =	swait.ge @!p0 [sflag:s8], $0x0  }
0x24: {  	s3 =	sadd.s32 $0x88, s3;
	s6 =	simm.s32 @!p1 $0x1082;
	[sflag:s4] =	ssyncset.s32 $0xFFFFF086  }
0x25: {  	[simem:s6], [sflag:s4] =	dma.local [hbm:s3], $0xF7A  }
0x26: {  	[smem:$0x3F9D] =	sst s1;
	(tag) =	ssettag s2;
	_ =	strace s9  }
0x27: {  	s1 =	sld [smem:$0x3FAD]  }
0x28: {  	s2 =	sld [smem:$0x3FAE]  }
0x29: {  	s4 =	sld [smem:$0x3FB0]  }
0x2a: {  	p0 =	seq.s32 s5, $0x0;
	s5 =	sld [smem:$0x3FB1]  }
0x2b: {  	s6 =	sld [smem:$0x3FB2]  }
0x2c: {  	s7 =	sld [smem:$0x3FB3]  }
0x2d: {  	s3 =	simm.s32 $0x108;
	s8 =	sld [smem:$0x3FB4]  }
0x2e: {  	s3 =	simm.s32 @!p0 $0x1082;
	s9 =	sld [smem:$0x3FB5]  }
0x2f: {  	lr =	sadd.s32 s0, s3;
	s0 =	sld [smem:$0x3FAC]  }
0x30: {  	s3 =	sld [smem:$0x3FAF]  }
0x31: {  	[smem:$0x3FB8] =	sst s10  }
0x32: {  	s10 =	sld [smem:$0x3FB6];
	_ =	sdelay $0x3  }
0x33: {  	p0 =	seq.s32 s10, $0x1;
	s10 =	sld [smem:$0x3FB8];
	_ =	sdelay $0x3  }
0x34: {  	[smem:$0x3FB8] =	sst s10  }
0x35: {  	s10 =	sld [smem:$0x3FB7];
	_ =	sdelay $0x3  }
0x36: {  	p1 =	seq.s32 s10, $0x1;
	s10 =	sld [smem:$0x3FB8];
	_ =	sdelay $0x3  }
0x37: {  	[smem:$0x3FB8] =	sst s10  }
0x38: {  	s10 =	sld [smem:$0x3FB9]  }
0x39: {  	_ = 	snop;
	(pc) =	sbr.ind lr, $3  }
0x3a: {  	_ = 	snop  }
0x3b: {  	_ = 	snop  }
0x3c: {  	p2 =	seq.s32 s10, $0x1;
	s10 =	sld [smem:$0x3FB8]  }
0x3d: {  	_ =	shalt  }
0x3e: {  	_ =	shalt  }
0x3f: {  	_ =	shalt  }
0x40: {  	_ =	shalt  }
0x41: {  	_ =	shalt  }
0x42: {  	_ =	shalt  }
0x43: {  	_ =	shalt  }
0x44: {  	_ =	shalt  }
0x45: {  	_ =	shalt  }
0x46: {  	_ =	shalt  }
0x47: {  	_ =	shalt  }
0x48: {  	_ =	shalt  }
0x49: {  	_ =	shalt  }
0x4a: {  	_ =	shalt  }
0x4b: {  	_ =	shalt  }
0x4c: {  	_ =	shalt  }
0x4d: {  	_ =	shalt  }
0x4e: {  	_ =	shalt  }
0x4f: {  	_ =	shalt  }
0x50: {  	_ =	shalt  }
0x51: {  	_ =	shalt  }
0x52: {  	_ =	shalt  }
0x53: {  	_ =	shalt  }
0x54: {  	_ =	shalt  }
0x55: {  	_ =	shalt  }
0x56: {  	_ =	shalt  }
0x57: {  	_ =	shalt  }
0x58: {  	_ =	shalt  }
0x59: {  	_ =	shalt  }
0x5a: {  	_ =	shalt  }
0x5b: {  	_ =	shalt  }
0x5c: {  	_ =	shalt  }
0x5d: {  	_ =	shalt  }
0x5e: {  	_ =	shalt  }
0x5f: {  	_ =	shalt  }
0x60: {  	_ =	shalt  }
0x61: {  	_ =	shalt  }
0x62: {  	_ =	shalt  }
0x63: {  	_ =	shalt  }
0x64: {  	_ =	shalt  }
0x65: {  	_ =	shalt  }
0x66: {  	_ =	shalt  }
0x67: {  	_ =	shalt  }
0x68: {  	_ =	shalt  }
0x69: {  	_ =	shalt  }
0x6a: {  	_ =	shalt  }
0x6b: {  	_ =	shalt  }
0x6c: {  	_ =	shalt  }
0x6d: {  	_ =	shalt  }
0x6e: {  	_ =	shalt  }
0x6f: {  	_ =	shalt  }
0x70: {  	_ =	shalt  }
0x71: {  	_ =	shalt  }
0x72: {  	_ =	shalt  }
0x73: {  	_ =	shalt  }
0x74: {  	_ =	shalt  }
0x75: {  	_ =	shalt  }
0x76: {  	_ =	shalt  }
0x77: {  	_ =	shalt  }
0x78: {  	_ =	shalt  }
0x79: {  	_ =	shalt  }
0x7a: {  	_ =	shalt  }
0x7b: {  	_ =	shalt  }
0x7c: {  	_ =	shalt  }
0x7d: {  	_ =	shalt  }
0x7e: {  	_ =	shalt  }
0x7f: {  	_ =	shalt  }
0x80: {  	_ =	shalt  }
0x81: {  	_ =	shalt  }
0x82: {  	_ =	shalt  }
0x83: {  	_ =	shalt  }
0x84: {  	_ =	shalt  }
0x85: {  	_ =	shalt  }
0x86: {  	_ =	shalt  }
0x87: {  	_ =	shalt  }
.Lfunc_end0:
.L_simem_size_0:
called_computation_lowered:
.L_overlay_start_0:
0x88: {  	s0 =	sld [smem:$0x3FD9]  }
0x89: {  	s1 =	sld [smem:$0x3FFE];
	_ =	sdelay $0x3  }
0x8a: {  	s0 =	sadd.s32 s1, s0  }
0x8b: {  	[smem:$0x3FC4] =	sst s0  }
0x8c: {  	_ = 	snop  }
0x8d: {  	s0 =	sld [smem:$0x3FD0];
	_ =	sdelay $0x2  }
0x8e: {  	s13 =	simm.s32 $0xA;
	s2 =	simm.s32 $0x10  }
0x8f: {  	[smem:s2], [sflag:s13] =	dma.local [hbm:s0], $0x1  }
0x90: {  	_ =	swait.eq [sflag:s13], $0x1  }
0x91: {  	[sflag:s13] =	ssyncset.done $0x0  }
0x92: {  	[sflag:s13] =	ssyncadd.s32 $0xFFFFFFFF  }
0x93: {  	s14 =	sld [smem:$0x11];
	(tm) =	ssettm $0x1  }
0x94: {  	s15 =	sld [smem:$0x3FFB];
	_ =	sdelay $0x3  }
0x95: {  	_ =	strace s15  }
0x96: {  	s1 =	sld [smem:$0x3FFC];
	_ =	sdelay $0x3  }
0x97: {  	_ =	strace s1  }
0x98: {  	s1 =	sld [smem:$0x3FFD];
	_ =	sdelay $0x3  }
0x99: {  	_ =	strace s1  }
0x9a: {  	_ =	strace $0x8FFFFFFF  }
0x9b: {  	s16 =	sld [smem:$0x3FDB];
	_ =	sdelay $0x1  }
0x9c: {  	s17 =	simm.s32 $_scs_section_size  }
0x9d: {  	s3 =	simm.s32 $_size__tile_overlayer_lowered;
	s4 =	simm.s32 $_tile_overlayer_lowered  }
0x9e: {  	s20 =	simm.s32 $0x1BFF;
	s19 =	sshll.u32 s4, $0x1;
	s1 =	sadd.s32 s17, s16  }
0x9f: {  	s5 =	simm.s32 $0x0;
	s18 =	sshll.u32 s3, $0x1;
	s3 =	sadd.s32 s19, s1  }
0xa0: {  	[timem:s5], [sflag:s20] =	dma.local [hbm:s3], s18  }
0xa1: {  	_ =	swait.ge [sflag:s20], s18  }
0xa2: {  	s2 =	ssub.s32 $0x0, s18;
	[sflag:s20] =	ssyncset.done $0x0  }
0xa3: {  	[sflag:s20] =	ssyncadd.s32 s2;
	_ =	sdelay $0x1  }
0xa4: {  	s21 =	simm.s32 $0x1B8B  }
0xa5: {  	_ =	swait.ge [sflag:s21], $0x1  }
0xa6: {  	[sflag:s21] =	ssyncset.done $0x0  }
0xa7: {  	s23 =	simm.s32 $0x1B8E;
	s22 =	sld [smem:$0x3FFE];
	[sflag:s21] =	ssyncadd.s32 $0xFFFFFFFF  }
0xa8: {  	s24 =	simm.s32 $execute0_lowered;
	[smem:$0x3FD2] =	sst s23  }
0xa9: {  	s3 =	sshll.u32 s24, $0x1;
	_ =	strace $0x80000046;
	[dreg:$0x1] =	wrdreg $0xFFFFFFFF  }
0xaa: {  	s25 =	simm.s32 $_size_execute0_lowered;
	s1 =	sadd.s32 s1, s3;
	[dreg:$0x0] =	wrdreg $0x0  }
0xab: {  	s3 =	sshll.u32 s25, $0x1;
	[dreg:$0x2] =	wrdreg s1  }
0xac: {  	[dreg:$0x3] =	wrdreg s3  }
0xad: {  	[dreg:$0x4] =	wrdreg $0xC0  }
0xae: {  	_ =	task [dreg:s5], $0x5FFFF  }
0xaf: {  	[dreg:$0x1] =	wrdreg $0xFFFFFFFF  }
0xb0: {  	[dreg:$0x0] =	wrdreg $0x60  }
0xb1: {  	[dreg:$0x2] =	wrdreg s22  }
0xb2: {  	[dreg:$0x3] =	wrdreg s14  }
0xb3: {  	[dreg:$0x4] =	wrdreg $0x9  }
0xb4: {  	_ =	task.clear_ibuf [dreg:s5], $0x5FFFF;
	_ =	strace $0x90000046  }
0xb5: {  	s26 =	simm.s32 $0x9;
	_ =	strace $0x80000048  }
0xb6: {  	_ =	swait.ge [sflag:s26], $0x1  }
0xb7: {  	[sflag:s26] =	ssyncadd.s32 $0xFFFFFFFF  }
0xb8: {  	_ =	strace $0x90000048  }
0xb9: {  	_ =	sfence  }
0xba: {  	s28 =	sld [smem:$0x0];
	_ =	sdelay $0x1  }
0xbb: {  	s29 =	srdreg.scid  }
0xbc: {  	s30 =	sshll.u32 s29, $0xD;
	s31 =	sshrl.u32 s29, $0x2  }
0xbd: {  	s2 =	sand.u32 $0x4000, s30;
	s1 =	sand.u32 $0x1, s29;
	s0 =	sadd.s32 s31, s28  }
0xbe: {  	s1 =	sor.u32 s2, s1;
	s0 =	sshll.u32 s0, $0x11  }
0xbf: {  	s0 =	sor.u32 s0, s1  }
0xc0: {  	s0 =	sadd.s32 $0x8F2B, s0  }
0xc1: {  	[sflag:s0] =	ssyncadd.remote.s32 $0x1  }
0xc2: {  	_ =	sfence.sel $0xFFFF  }
0xc3: {  	[dreg:$0x0] =	wrdreg $0xFFFFFFFF;
	(pc) =	sbr.abs _section_cstart, $3  }
0xc4: {  	[dreg:$0x1] =	wrdreg $0xFFFFFFFF  }
0xc5: {  	_ =	task.clear_ibuf [dreg:s5], $0x2FFFF;
	_ =	strace $0x9FFFFFFF  }
0xc6: {  	(tm) =	ssettm $0x7FFFFFFF  }
0xc7: {  	_ =	shalt  }
tec
execute0_lowered:
.L_overlay_start_1:
0x0: {  	(tag) =	ssettag $0x1  }
0x1: {  	s3 =	stileid.u32  }
0x2: {  	p0 =	sne.s32 s3, $0x0  }
.Ltmp0:
0x3: {  	_ = 	snop;
	(pc) =	sbr.rel @p0 .LBB2_2-.Ltmp0, $4  }
0x4: {  	_ = 	snop  }
0x5: {  	s2 =	rddreg [dreg:$0x0]  }
0x6: {  	s1 =	rddreg [dreg:$0x1]  }
0x7: {  	s0 =	rddreg [dreg:$0x2];
	_ =	strace $0x80000047  }
0x8: {  	s2 =	sadd.s32 $0x600, s2;
	s3 =	simm.s32 $0x0;
	s31 =	simm.s32 $0x1  }
0x9: {  	[tilespmem:s3], [sflag:$0x1] =	stream.linear.gather [hbm4b:s2+s3], $0x80, $0x38;
	[tilespmem:$0x100] =	vst v63  }
0xa: {  	_ =	swait.ge [sflag:s31], $0x80  }
0xb: {  	[sflag:s31] =	ssyncset.done $0x0  }
0xc: {  	[sflag:s31] =	ssyncadd.s32 $0xFFFFFF80  }
0xd: {  	v0 =	vld [tilespmem:$0x0]  }
0xe: {  	v1 =	vld [tilespmem:$0x50]  }
0xf: {  	v2 =	vld [tilespmem:$0x10];
	_ =	sdelay $0x4  }
0x10: {  	vm0 =	vlt.f32 v0, v1;
	vm10 =	vlt.f32 v2, v1;
	vm11 =	vle.f32 v0, v1  }
0x11: {  	vm1 =	vle.f32 v2, v1;
	v3 =	vmpcnt.ones.xlane vm0;
	v4 =	vmpcnt.ones.xlane vm10  }
0x12: {  	v0 =	vmpcnt.ones.xlane vm11;
	v2 =	vmpcnt.ones.xlane vm1  }
0x13: {  	v3 =	vadd.s32 v3, v4  }
0x14: {  	v0 =	vadd.s32 v0, v2;
	vm12 =	vlt.s32 v3, $0x1E  }
0x15: {  	vm13 =	vlt.s32 v0, $0x1E;
	v52 =	vnsel vm12, $0x1E, v3  }
0x16: {  	v0 =	vnsel vm13, $0x1E, v0  }
0x17: {  	v3 =	vadd.s32 $0x20, v52  }
0x18: {  	v53 =	vadd.s32 $0x20, v0;
	_ =	sdelay $0x1  }
0x19: {  	v2 =	vld.idx.msk [tilespmem:v52+s3+$0x0], $0xffff  }
0x1a: {  	v0 =	vld.idx.msk [tilespmem:v0+s3+$0x0], $0xffff  }
0x1b: {  	v3 =	vld.idx.msk [tilespmem:v3+s3+$0x0], $0xffff  }
0x1c: {  	v4 =	vld.idx.msk [tilespmem:v53+s3+$0x0], $0xffff;
	_ =	sdelay $0x1  }
0x1d: {  	v5 =	vand.u32 $0x7FFFFF, v1  }
0x1e: {  	v5 =	vor.u32 $0x3F800000, v5;
	v6 =	vsub.f32 v0, v2  }
0x1f: {  	v7 =	vmul.f32 $5.000000000e-01, v5;
	vm2 =	vgt.f32 v5, $1.414213540e+00;
	v3 =	vmul.f32 $1.442695020e+00, v3  }
0x20: {  	v4 =	vmul.f32 $1.442695020e+00, v4;
	vm14 =	vlt.f32 v6, $0.0e+00;
	vm15 =	vgt.f32 v6, $0.0e+00  }
0x21: {  	v54 =	vsel vm2, v7, v5;
	vm0 =	vmor vm15, vm14;
	(erf) = vpow2.f32 v3  }
0x22: {  	v5 =	vadd.f32 $1.000000000e+00, v54;
	(erf) = vpow2.f32 v4;
	v55 =	vnsel vm0, $0x3F800000, v6  }
0x23: {  	(erf) = vrcp.f32 v55  }
0x24: {  	(erf) = vrcp.f32 v5;
	_ =	sdelay $0x5  }
0x25: {  	v56 =	vpop (erf)  }
0x26: {  	v57 =	vpop (erf)  }
0x27: {  	v3 =	vadd.f32 $-1.000000000e+00, v54;
	v58 =	vpop (erf)  }
0x28: {  	v59 =	vpop (erf)  }
0x29: {  	v3 =	vmul.f32 v59, v3;
	_ =	sdelay $0x1  }
0x2a: {  	v7 =	vmul.f32 v3, v3;
	_ =	sdelay $0x1  }
0x2b: {  	v8 =	vmul.f32 $1.111111120e-01, v7;
	_ =	sdelay $0x1  }
0x2c: {  	v8 =	vadd.f32 $1.428571490e-01, v8;
	_ =	sdelay $0x1  }
0x2d: {  	v8 =	vmul.f32 v8, v7;
	_ =	sdelay $0x1  }
0x2e: {  	v8 =	vadd.f32 $2.000000030e-01, v8;
	_ =	sdelay $0x1  }
0x2f: {  	v8 =	vmul.f32 v8, v7  }
0x30: {  	v2 =	vsub.f32 v1, v2;
	v0 =	vsub.f32 v0, v1  }
0x31: {  	v61 =	vimm.s32 $0xFFFFFF81;
	v60 =	vadd.f32 $3.333333430e-01, v8  }
0x32: {  	v1 =	vshrl.u32 v1, $0x17;
	v0 =	vmul.f32 v56, v0;
	v2 =	vmul.f32 v57, v2  }
0x33: {  	v62 =	vsel vm2, $0xFFFFFF82, v61;
	v1 =	vand.u32 $0xFF, v1;
	v5 =	vmul.f32 v60, v7  }
0x34: {  	v63 =	vld [tilespmem:$0x40];
	v1 =	vadd.s32 v1, v62;
	v0 =	vadd.f32 v2, v0  }
0x35: {  	v1 =	vcvt.s32.f32 v1;
	v3 =	vadd.f32 v3, v3;
	v5 =	vadd.f32 $1.000000000e+00, v5  }
0x36: {  	v0 =	vmul.f32 v0, v58  }
0x37: {  	v1 =	vmul.f32 $6.931471820e-01, v1;
	v3 =	vmul.f32 v5, v3  }
0x38: {  	v0 =	vsel vm0, v0, v56  }
0x39: {  	v0 =	vmul.f32 v0, v63;
	v1 =	vadd.f32 v3, v1;
	_ =	sdelay $0x1  }
0x3a: {  	v0 =	vadd.f32 v1, v0;
	_ =	sdelay $0x1  }
0x3b: {  	v0 =	vmul.f32 $-1.048576000e+06, v0;
	_ =	sdelay $0x1  }
0x3c: {  	s4 =	simm.s32 $0x80;
	[tilespmem:$0x80] =	vst v0  }
0x3d: {  	[hbm4b:s1+s3] =	stream.linear.scatter [tilespmem:s4], [sflag:$0x1], $0x80, $0x38;
	[tilespmem:$0x100] =	vst v63  }
0x3e: {  	_ =	swait.ge [sflag:s31], $0x80  }
0x3f: {  	[sflag:s31] =	ssyncset.done $0x0  }
0x40: {  	[sflag:s31] =	ssyncadd.s32 $0xFFFFFF80  }
.LBB2_2:
0x41: {  	_ =	sfence.sel $0x180000  }
0x42: {  	[bflag:$0x0] =	sbarrier.arrive $0xFFFF  }
0x43: {  	_ =	strace $0x90000047  }
0x44: {  	s0 =	sadd.s32 @!p0 $0x100000, s0;
	[bflag:$0x2] =	sbarrier.arrive $0xFFFF  }
0x45: {  	[sflag:s0] =	ssyncadd.tile.s32 @!p0 $0x1;
	_ =	shalt  }
.Lfunc_end2:
_tile_overlayer_lowered:
.L_overlay_start_2:
0x46: {  	(tag) =	ssettag $0x2  }
0x47: {  	s0 =	rddreg [dreg:$0x0];
	s2 =	stileid.u32  }
0x48: {  	s1 =	rddreg [dreg:$0x1];
	p0 =	sne.s32 s2, $0x0  }
0x49: {  	s3 =	rddreg [dreg:$0x2];
	[bflag:$0x3] =	sbarrier.arrive $0xFFFF;
	s2 =	simm.s32 @!p0 $0x1C01  }
0x4a: {  	[timem:s3], [sflag:s2] =	dma.local @!p0 [hbm:s0], s1  }
0x4b: {  	s0 =	simm.s32 @!p0 $0x1  }
0x4c: {  	_ =	swait.ge @!p0 [sflag:s0], s1  }
0x4d: {  	s1 =	ssub.s32 @!p0 $0x0, s1;
	[sflag:s0] =	ssyncset.done @!p0 $0x0  }
0x4e: {  	[sflag:s0] =	ssyncadd.s32 @!p0 s1  }
0x4f: {  	[bflag:$0x3] =	sbarrier.arrive $0xFFFF  }
0x50: {  	_ =	shalt  }

</sc_bundles>
